<compile_context>
chip_gen: v7x
topology: tpu7x:2x2x1
jax: 0.10.2.dev20260603
libtpu: 0.0.44.dev20260713+nightly
codegen_flags: <defaults>
</compile_context>

<pallas_src>
import jax
import jax.numpy as jnp
from jax import lax
from jax.experimental import pallas as pl
from jax.experimental.pallas import tpu as pltpu
from jax.experimental.pallas import tpu_sc as plsc

_B = 16384
_V = 33
_DIN = 16
_DOUT = 128

_C = 2048
_G = _B // _C


def _tc_body(inpT_ref, L0_ref, fs_ref, b_ref, vuT_ref,
             out_ref, hgT_ref, lhT_ref):
    Lrow = L0_ref[...]
    m = jnp.max(Lrow, axis=1, keepdims=True)
    e = jnp.exp(Lrow - m)
    w = e / jnp.sum(e, axis=1, keepdims=True)
    fc = lax.dot_general(w, fs_ref[...], (((1,), (0,)), ((), ())),
                         preferred_element_type=jnp.float32) + b_ref[...]
    hcT = lax.dot_general(vuT_ref[...], w, (((1,), (1,)), ((), ())),
                          preferred_element_type=jnp.float32)
    wT = w.reshape(_V, 1)
    rwT = 1.0 / (wT + 1e-20)

    xT = inpT_ref[...]
    s = jnp.sum(xT, axis=0, keepdims=True)
    iwT = jnp.concatenate([1.0 - s, xT], axis=0)
    wdT = iwT * rwT
    val = jnp.min(wdT, axis=0, keepdims=True)
    MT = jnp.where(wdT == val, 0.0, iwT - val * wT)
    MT_full = jnp.concatenate([MT, val], axis=0)
    fs_full = jnp.concatenate([fs_ref[...], fc], axis=0)
    out = lax.dot_general(MT_full, fs_full, (((0,), (0,)), ((), ())),
                          preferred_element_type=jnp.float32)
    out_ref[...] = out
    hgT_ref[...] = jnp.broadcast_to(hcT, (_DIN, _C))
    lhT_ref[...] = jnp.broadcast_to(hcT, (_DIN, _C))


_NC = 2
_NS = 16
_NW = _NC * _NS
_COLS_W = _B // _NW
_QC = 128


def _sc_body(hpat_hbm, holdT_hbm, shared, sem):
    cid = lax.axis_index("c")
    sid = lax.axis_index("s")
    wid = sid * _NC + cid
    base = wid * _COLS_W

    @pl.when(sid == 0)
    def _load():
        pltpu.sync_copy(hpat_hbm, shared)

    plsc.subcore_barrier()
    handles = [
        pltpu.async_copy(shared, holdT_hbm.at[:, pl.ds(base + j * _QC, _QC)],
                         sem)
        for j in range(_COLS_W // _QC)
    ]
    for h in handles:
        h.wait()


def _sc_holdT(visible_units):
    mesh = plsc.VectorSubcoreMesh(core_axis_name="c", subcore_axis_name="s")
    kern = pl.kernel(
        _sc_body,
        out_type=jax.ShapeDtypeStruct((_V * _DIN, _B), jnp.float32),
        mesh=mesh,
        scratch_types=[
            pltpu.VMEM_SHARED((_V * _DIN, _QC), jnp.float32),
            pltpu.SemaphoreType.DMA,
        ],
    )
    hpat = jnp.broadcast_to(visible_units.reshape(_V * _DIN, 1), (_V * _DIN, _QC))
    return kern(hpat)


def kernel(inp, L0, visible_fs, biases, visible_units):
    out, hgT, lhT = pl.pallas_call(
        _tc_body,
        grid=(_G,),
        in_specs=[
            pl.BlockSpec((_V - 1, _C), lambda i: (0, i)),
            pl.BlockSpec((1, _V), lambda i: (0, 0)),
            pl.BlockSpec((_V, _DOUT), lambda i: (0, 0)),
            pl.BlockSpec((1, _DOUT), lambda i: (0, 0)),
            pl.BlockSpec((_DIN, _V), lambda i: (0, 0)),
        ],
        out_specs=[
            pl.BlockSpec((_C, _DOUT), lambda i: (i, 0)),
            pl.BlockSpec((_DIN, _C), lambda i: (0, i)),
            pl.BlockSpec((_DIN, _C), lambda i: (0, i)),
        ],
        out_shape=[
            jax.ShapeDtypeStruct((_B, _DOUT), jnp.float32),
            jax.ShapeDtypeStruct((_DIN, _B), jnp.float32),
            jax.ShapeDtypeStruct((_DIN, _B), jnp.float32),
        ],
    )(inp.T, L0, visible_fs, biases, visible_units.T)

    holdT = _sc_holdT(visible_units)

    hold = holdT.reshape(_V, _DIN, _B).transpose(2, 0, 1)
    return (out.reshape(_B, 1, _DOUT), hold, hgT.T, lhT.T)

# --- scband reference (transcript-rebuilt; emitter-appended) ---
"""Pipeline reference for scband-scn-multi-78048145703246 (READ-ONLY COPY).

The authoritative reference and input builder live on the scoring server;
editing this copy changes nothing except your own understanding.
"""

import jax, jax.numpy as jnp
import numpy as np

B = 16384
V = 33
D_IN = 16
D_OUT = 128
DEPTH = 1


def setup_inputs(seed: int = 0):
    key = jax.random.key(seed)
    k1, k2, k3, k4, k5 = jax.random.split(key, 5)
    inp = jax.random.uniform(k1, (B, V - 1), dtype=jnp.float32)
    L0 = jax.random.normal(k2, (1, V), dtype=jnp.float32) * 0.1
    visible_fs = jax.random.normal(k3, (V, D_OUT), dtype=jnp.float32) * 0.02
    biases = jax.random.normal(k4, (DEPTH, D_OUT), dtype=jnp.float32) * 0.02
    visible_units = jax.random.normal(k5, (V, D_IN), dtype=jnp.float32) * 0.02
    return {"inp": inp, "L0": L0, "visible_fs": visible_fs, "biases": biases, "visible_units": visible_units}


def reference(inp, L0, visible_fs, biases, visible_units):
    Bn = inp.shape[0]
    rows = jnp.arange(Bn)
    # f = visible_fs.repeat(B,1,1); h = visible_units.repeat(B,1,1)
    f = jnp.broadcast_to(visible_fs[None], (Bn, V, D_OUT))
    h = jnp.broadcast_to(visible_units[None], (Bn, V, D_IN))
    # get_first_input_weights_mdl1
    input_weights = jnp.concatenate([1.0 - jnp.sum(inp, axis=1, keepdims=True), inp], axis=1)
    Ls = [L0]
    h_old = h
    h_gather = None
    last_h = None
    for i in range(DEPTH):
        w = jax.nn.softmax(Ls[i], axis=-1)          # sftmax(L[i])
        w_det = jax.lax.stop_gradient(w)            # .detach() in update_weights
        # update_weights
        weights_div = input_weights / (w_det + 1e-20)
        values = jnp.min(weights_div, axis=1)
        indices = jnp.argmin(weights_div, axis=1)
        new_weights = input_weights - values[:, None] * w_det
        input_weights = new_weights.at[rows, indices].set(values)
        # update_h_mdl1 (internal autograd.grad + print omitted; no effect on outputs)
        h_old = h
        f_new = jnp.matmul(w, f).squeeze(-2) + biases[i]   # [B, D_OUT]
        new_h = jnp.matmul(w, h).squeeze(-2)               # [B, D_IN]
        f = f.at[rows, indices].set(f_new)
        h = h.at[rows, indices].set(new_h)
        h_gather = h[rows, indices, :]
        last_h = new_h
    out = jnp.matmul(input_weights[:, None, :], f)         # bmm -> [B, 1, D_OUT]
    return (out, h_old, h_gather, last_h)

if __name__ == "__main__":
    import jax
    _d = setup_inputs()
    print(jax.jit(kernel)(*tuple(_d.values())))

</pallas_src>

<mosaic_0001>
#map = affine_map<(d0, d1) -> (0, 0)>
module attributes {stable_mosaic.version = 14 : i64} {
  func.func @_sc_body(%arg0: i32, %arg1: i32, %arg2: memref<528x128xf32, #tpu.memory_space<hbm>>, %arg3: memref<528x16384xf32, #tpu.memory_space<hbm>>, %arg4: memref<528x128xf32, #tpu.memory_space<vmem_shared>>, %arg5: memref<!tpu.dma_semaphore, #tpu.memory_space<semaphore_mem>>) attributes {dimension_semantics = [#tpu.dimension_semantics<core_parallel>, #tpu.dimension_semantics<subcore_parallel>], iteration_bounds = array<i64: 2, 16>, scalar_prefetch = 0 : i64, scratch_operands = 2 : i64, tpu.core_type = #tpu.core_type<sc_vector_subcore>, window_params = [{transform_indices = #map}, {transform_indices = #map}]} {
    %mul3A = arith.constant 2 : i32
    %mul3A_0 = arith.muli %arg1, %mul3A : i32
    %add3A = arith.addi %mul3A_0, %arg0 : i32
    %mul3A_1 = arith.constant 512 : i32
    %mul3A_2 = arith.muli %add3A, %mul3A_1 : i32
    %eq3A = arith.constant 0 : i32
    %eq3A_3 = arith.cmpi eq, %arg1, %eq3A : i32
    %convert_element_type3A = arith.extui %eq3A_3 : i1 to i32
    %cond3A = arith.constant 0 : i32
    %cond3A_4 = arith.cmpi ne, %convert_element_type3A, %cond3A : i32
    scf.if %cond3A_4 {
      "tpu.region"() ({
        %run_scoped3A = tpu.sem_alloc : memref<!tpu.dma_semaphore, #tpu.memory_space<semaphore_mem>>
        tpu.enqueue_dma source(%arg2 : memref<528x128xf32, #tpu.memory_space<hbm>>) target(%arg4 : memref<528x128xf32, #tpu.memory_space<vmem_shared>>) target_semaphore(%run_scoped3A : memref<!tpu.dma_semaphore, #tpu.memory_space<semaphore_mem>>)
        tpu.wait_dma2 semaphore(%run_scoped3A : memref<!tpu.dma_semaphore, #tpu.memory_space<semaphore_mem>>) src(%arg2 : memref<528x128xf32, #tpu.memory_space<hbm>>) dst(%arg4 : memref<528x128xf32, #tpu.memory_space<vmem_shared>>)
        tpu.yield
      }) : () -> ()
    } else {
    }
    %barrier3A = arith.constant 0 : index
    tpu.barrier barrier_id(%barrier3A)
    %add3A_5 = arith.constant 0 : i32
    %add3A_6 = arith.addi %mul3A_2, %add3A_5 : i32
    %dma_start3A = arith.constant 0 : i32
    %dma_start3A_7 = tpu.memref_slice %arg3[%dma_start3A, %add3A_6] : memref<528x16384xf32, #tpu.memory_space<hbm>> -> memref<528x128xf32, #tpu.memory_space<hbm>>
    tpu.enqueue_dma source(%arg4 : memref<528x128xf32, #tpu.memory_space<vmem_shared>>) target(%dma_start3A_7 : memref<528x128xf32, #tpu.memory_space<hbm>>) target_semaphore(%arg5 : memref<!tpu.dma_semaphore, #tpu.memory_space<semaphore_mem>>)
    %add3A_8 = arith.constant 128 : i32
    %add3A_9 = arith.addi %mul3A_2, %add3A_8 : i32
    %dma_start3A_10 = arith.constant 0 : i32
    %dma_start3A_11 = tpu.memref_slice %arg3[%dma_start3A_10, %add3A_9] : memref<528x16384xf32, #tpu.memory_space<hbm>> -> memref<528x128xf32, #tpu.memory_space<hbm>>
    tpu.enqueue_dma source(%arg4 : memref<528x128xf32, #tpu.memory_space<vmem_shared>>) target(%dma_start3A_11 : memref<528x128xf32, #tpu.memory_space<hbm>>) target_semaphore(%arg5 : memref<!tpu.dma_semaphore, #tpu.memory_space<semaphore_mem>>)
    %add3A_12 = arith.constant 256 : i32
    %add3A_13 = arith.addi %mul3A_2, %add3A_12 : i32
    %dma_start3A_14 = arith.constant 0 : i32
    %dma_start3A_15 = tpu.memref_slice %arg3[%dma_start3A_14, %add3A_13] : memref<528x16384xf32, #tpu.memory_space<hbm>> -> memref<528x128xf32, #tpu.memory_space<hbm>>
    tpu.enqueue_dma source(%arg4 : memref<528x128xf32, #tpu.memory_space<vmem_shared>>) target(%dma_start3A_15 : memref<528x128xf32, #tpu.memory_space<hbm>>) target_semaphore(%arg5 : memref<!tpu.dma_semaphore, #tpu.memory_space<semaphore_mem>>)
    %add3A_16 = arith.constant 384 : i32
    %add3A_17 = arith.addi %mul3A_2, %add3A_16 : i32
    %dma_start3A_18 = arith.constant 0 : i32
    %dma_start3A_19 = tpu.memref_slice %arg3[%dma_start3A_18, %add3A_17] : memref<528x16384xf32, #tpu.memory_space<hbm>> -> memref<528x128xf32, #tpu.memory_space<hbm>>
    tpu.enqueue_dma source(%arg4 : memref<528x128xf32, #tpu.memory_space<vmem_shared>>) target(%dma_start3A_19 : memref<528x128xf32, #tpu.memory_space<hbm>>) target_semaphore(%arg5 : memref<!tpu.dma_semaphore, #tpu.memory_space<semaphore_mem>>)
    %dma_wait3A = arith.constant 0 : i32
    %dma_wait3A_20 = tpu.memref_slice %arg3[%dma_wait3A, %add3A_6] : memref<528x16384xf32, #tpu.memory_space<hbm>> -> memref<528x128xf32, #tpu.memory_space<hbm>>
    tpu.wait_dma2 semaphore(%arg5 : memref<!tpu.dma_semaphore, #tpu.memory_space<semaphore_mem>>) src(%arg4 : memref<528x128xf32, #tpu.memory_space<vmem_shared>>) dst(%dma_wait3A_20 : memref<528x128xf32, #tpu.memory_space<hbm>>)
    %dma_wait3A_21 = arith.constant 0 : i32
    %dma_wait3A_22 = tpu.memref_slice %arg3[%dma_wait3A_21, %add3A_9] : memref<528x16384xf32, #tpu.memory_space<hbm>> -> memref<528x128xf32, #tpu.memory_space<hbm>>
    tpu.wait_dma2 semaphore(%arg5 : memref<!tpu.dma_semaphore, #tpu.memory_space<semaphore_mem>>) src(%arg4 : memref<528x128xf32, #tpu.memory_space<vmem_shared>>) dst(%dma_wait3A_22 : memref<528x128xf32, #tpu.memory_space<hbm>>)
    %dma_wait3A_23 = arith.constant 0 : i32
    %dma_wait3A_24 = tpu.memref_slice %arg3[%dma_wait3A_23, %add3A_13] : memref<528x16384xf32, #tpu.memory_space<hbm>> -> memref<528x128xf32, #tpu.memory_space<hbm>>
    tpu.wait_dma2 semaphore(%arg5 : memref<!tpu.dma_semaphore, #tpu.memory_space<semaphore_mem>>) src(%arg4 : memref<528x128xf32, #tpu.memory_space<vmem_shared>>) dst(%dma_wait3A_24 : memref<528x128xf32, #tpu.memory_space<hbm>>)
    %dma_wait3A_25 = arith.constant 0 : i32
    %dma_wait3A_26 = tpu.memref_slice %arg3[%dma_wait3A_25, %add3A_17] : memref<528x16384xf32, #tpu.memory_space<hbm>> -> memref<528x128xf32, #tpu.memory_space<hbm>>
    tpu.wait_dma2 semaphore(%arg5 : memref<!tpu.dma_semaphore, #tpu.memory_space<semaphore_mem>>) src(%arg4 : memref<528x128xf32, #tpu.memory_space<vmem_shared>>) dst(%dma_wait3A_26 : memref<528x128xf32, #tpu.memory_space<hbm>>)
    return
  }
}

module attributes {stable_mosaic.version = 14 : i64} {
  func.func @_tc_body(%arg0: i32, %arg1: memref<32x2048xf32, #tpu.memory_space<vmem>>, %arg2: memref<1x33xf32, #tpu.memory_space<vmem>>, %arg3: memref<33x128xf32, #tpu.memory_space<vmem>>, %arg4: memref<1x128xf32, #tpu.memory_space<vmem>>, %arg5: memref<16x33xf32, #tpu.memory_space<vmem>>, %arg6: memref<2048x128xf32, #tpu.memory_space<vmem>>, %arg7: memref<16x2048xf32, #tpu.memory_space<vmem>>, %arg8: memref<16x2048xf32, #tpu.memory_space<vmem>>) attributes {dimension_semantics = [#tpu.dimension_semantics<arbitrary>], iteration_bounds = array<i64: 8>, scalar_prefetch = 0 : i64, scratch_operands = 0 : i64, tpu.core_type = #tpu.core_type<tc>, window_params = [{transform_indices = @transform_0, window_bounds = array<i64: 32, 2048>}, {pipeline_mode = #tpu.pipeline_mode<synchronous>, transform_indices = @transform_1, window_bounds = array<i64: 1, 33>}, {pipeline_mode = #tpu.pipeline_mode<synchronous>, transform_indices = @transform_2, window_bounds = array<i64: 33, 128>}, {pipeline_mode = #tpu.pipeline_mode<synchronous>, transform_indices = @transform_3, window_bounds = array<i64: 1, 128>}, {pipeline_mode = #tpu.pipeline_mode<synchronous>, transform_indices = @transform_4, window_bounds = array<i64: 16, 33>}, {transform_indices = @transform_5, window_bounds = array<i64: 2048, 128>}, {transform_indices = @transform_6, window_bounds = array<i64: 16, 2048>}, {transform_indices = @transform_7, window_bounds = array<i64: 16, 2048>}]} {
    %get3A = arith.constant 0 : index
    %get3A_0 = arith.constant 0 : index
    %get3A_1 = vector.load %arg2[%get3A, %get3A_0] : memref<1x33xf32, #tpu.memory_space<vmem>>, vector<1x33xf32>
    %reduce_max3A = arith.constant dense<0xFF800000> : vector<1xf32>
    %reduce_max3A_2 = vector.multi_reduction <maximumf>, %get3A_1, %reduce_max3A [1] : vector<1x33xf32> to vector<1xf32>
    %broadcast_in_dim3A = vector.shape_cast %reduce_max3A_2 : vector<1xf32> to vector<1x1xf32>
    %sub3A = vector.broadcast %broadcast_in_dim3A : vector<1x1xf32> to vector<1x33xf32>
    %sub3A_3 = arith.subf %get3A_1, %sub3A : vector<1x33xf32>
    %exp3A = math.exp %sub3A_3 : vector<1x33xf32>
    %reduce_sum3A = arith.constant dense<0.000000e+00> : vector<1xf32>
    %reduce_sum3A_4 = vector.multi_reduction <add>, %exp3A, %reduce_sum3A [1] : vector<1x33xf32> to vector<1xf32>
    %broadcast_in_dim3A_5 = vector.shape_cast %reduce_sum3A_4 : vector<1xf32> to vector<1x1xf32>
    %div3A = vector.broadcast %broadcast_in_dim3A_5 : vector<1x1xf32> to vector<1x33xf32>
    %div3A_6 = arith.divf %exp3A, %div3A : vector<1x33xf32>
    %get3A_7 = arith.constant 0 : index
    %get3A_8 = arith.constant 0 : index
    %get3A_9 = vector.load %arg3[%get3A_7, %get3A_8] : memref<33x128xf32, #tpu.memory_space<vmem>>, vector<33x128xf32>
    %dot_general3A = arith.constant dense<0.000000e+00> : vector<1x128xf32>
    %dot_general3A_10 = tpu.matmul %div3A_6, %get3A_9, %dot_general3A {dimension_numbers = #tpu.dot_dimension_numbers<[1], [0], [0], [1], [0, 0, 1, 1], [], []>, transpose_lhs_hint = false} : vector<1x33xf32>, vector<33x128xf32>, vector<1x128xf32> -> vector<1x128xf32>
    %get3A_11 = arith.constant 0 : index
    %get3A_12 = arith.constant 0 : index
    %get3A_13 = vector.load %arg4[%get3A_11, %get3A_12] : memref<1x128xf32, #tpu.memory_space<vmem>>, vector<1x128xf32>
    %add3A = arith.addf %dot_general3A_10, %get3A_13 : vector<1x128xf32>
    %get3A_14 = arith.constant 0 : index
    %get3A_15 = arith.constant 0 : index
    %get3A_16 = vector.load %arg5[%get3A_14, %get3A_15] : memref<16x33xf32, #tpu.memory_space<vmem>>, vector<16x33xf32>
    %dot_general3A_17 = arith.constant dense<0.000000e+00> : vector<16x1xf32>
    %dot_general3A_18 = tpu.matmul %get3A_16, %div3A_6, %dot_general3A_17 {dimension_numbers = #tpu.dot_dimension_numbers<[1], [1], [0], [0], [0, 0, 1, 0], [], []>, transpose_lhs_hint = false} : vector<16x33xf32>, vector<1x33xf32>, vector<16x1xf32> -> vector<16x1xf32>
    %reshape3A = vector.shape_cast %div3A_6 : vector<1x33xf32> to vector<33x1xf32>
    %add3A_19 = arith.constant 9.99999968E-21 : f32
    %add3A_20 = vector.broadcast %add3A_19 : f32 to vector<33x1xf32>
    %add3A_21 = arith.addf %reshape3A, %add3A_20 : vector<33x1xf32>
    %div3A_22 = arith.constant 1.000000e+00 : f32
    %div3A_23 = vector.broadcast %div3A_22 : f32 to vector<33x1xf32>
    %div3A_24 = arith.divf %div3A_23, %add3A_21 : vector<33x1xf32>
    %get3A_25 = arith.constant 0 : index
    %get3A_26 = arith.constant 0 : index
    %get3A_27 = vector.load %arg1[%get3A_25, %get3A_26] : memref<32x2048xf32, #tpu.memory_space<vmem>>, vector<32x2048xf32>
    %reduce_sum3A_28 = arith.constant dense<0.000000e+00> : vector<2048xf32>
    %reduce_sum3A_29 = vector.multi_reduction <add>, %get3A_27, %reduce_sum3A_28 [0] : vector<32x2048xf32> to vector<2048xf32>
    %broadcast_in_dim3A_30 = vector.shape_cast %reduce_sum3A_29 : vector<2048xf32> to vector<1x2048xf32>
    %sub3A_31 = arith.constant 1.000000e+00 : f32
    %sub3A_32 = vector.broadcast %sub3A_31 : f32 to vector<1x2048xf32>
    %sub3A_33 = arith.subf %sub3A_32, %broadcast_in_dim3A_30 : vector<1x2048xf32>
    %concatenate3A = tpu.concatenate %sub3A_33, %get3A_27 in 0 : vector<1x2048xf32>, vector<32x2048xf32> -> vector<33x2048xf32>
    %mul3A = vector.broadcast %div3A_24 : vector<33x1xf32> to vector<33x2048xf32>
    %mul3A_34 = arith.mulf %concatenate3A, %mul3A : vector<33x2048xf32>
    %reduce_min3A = arith.constant dense<0x7F800000> : vector<2048xf32>
    %reduce_min3A_35 = vector.multi_reduction <minimumf>, %mul3A_34, %reduce_min3A [0] : vector<33x2048xf32> to vector<2048xf32>
    %broadcast_in_dim3A_36 = vector.shape_cast %reduce_min3A_35 : vector<2048xf32> to vector<1x2048xf32>
    %eq3A = vector.broadcast %broadcast_in_dim3A_36 : vector<1x2048xf32> to vector<33x2048xf32>
    %eq3A_37 = arith.cmpf oeq, %mul3A_34, %eq3A : vector<33x2048xf32>
    %mul3A_38 = vector.broadcast %broadcast_in_dim3A_36 : vector<1x2048xf32> to vector<33x2048xf32>
    %mul3A_39 = vector.broadcast %reshape3A : vector<33x1xf32> to vector<33x2048xf32>
    %mul3A_40 = arith.mulf %mul3A_38, %mul3A_39 : vector<33x2048xf32>
    %sub3A_41 = arith.subf %concatenate3A, %mul3A_40 : vector<33x2048xf32>
    %jit3A = arith.constant 0.000000e+00 : f32
    %broadcast_in_dim3A_42 = vector.broadcast %jit3A : f32 to vector<33x2048xf32>
    %select_n3A = arith.select %eq3A_37, %broadcast_in_dim3A_42, %sub3A_41 : vector<33x2048xi1>, vector<33x2048xf32>
    %concatenate3A_43 = tpu.concatenate %select_n3A, %broadcast_in_dim3A_36 in 0 : vector<33x2048xf32>, vector<1x2048xf32> -> vector<34x2048xf32>
    %get3A_44 = arith.constant 0 : index
    %get3A_45 = arith.constant 0 : index
    %get3A_46 = vector.load %arg3[%get3A_44, %get3A_45] : memref<33x128xf32, #tpu.memory_space<vmem>>, vector<33x128xf32>
    %concatenate3A_47 = tpu.concatenate %get3A_46, %add3A in 0 : vector<33x128xf32>, vector<1x128xf32> -> vector<34x128xf32>
    %dot_general3A_48 = arith.constant dense<0.000000e+00> : vector<2048x128xf32>
    %dot_general3A_49 = tpu.matmul %concatenate3A_43, %concatenate3A_47, %dot_general3A_48 {dimension_numbers = #tpu.dot_dimension_numbers<[0], [0], [1], [1], [0, 1, 1, 1], [], []>, transpose_lhs_hint = false} : vector<34x2048xf32>, vector<34x128xf32>, vector<2048x128xf32> -> vector<2048x128xf32>
    %swap3A = arith.constant 0 : index
    %swap3A_50 = arith.constant 0 : index
    %swap3A_51 = vector.load %arg6[%swap3A, %swap3A_50] : memref<2048x128xf32, #tpu.memory_space<vmem>>, vector<2048x128xf32>
    tpu.vector_store %arg6[%swap3A, %swap3A_50], %dot_general3A_49 {strides = array<i32>} : memref<2048x128xf32, #tpu.memory_space<vmem>>, vector<2048x128xf32>,
    %broadcast_in_dim3A_52 = vector.shape_cast %dot_general3A_18 : vector<16x1xf32> to vector<16x1xf32>
    %broadcast_in_dim3A_53 = vector.broadcast %broadcast_in_dim3A_52 : vector<16x1xf32> to vector<16x2048xf32>
    %swap3A_54 = arith.constant 0 : index
    %swap3A_55 = arith.constant 0 : index
    %swap3A_56 = vector.load %arg7[%swap3A_54, %swap3A_55] : memref<16x2048xf32, #tpu.memory_space<vmem>>, vector<16x2048xf32>
    tpu.vector_store %arg7[%swap3A_54, %swap3A_55], %broadcast_in_dim3A_53 {strides = array<i32>} : memref<16x2048xf32, #tpu.memory_space<vmem>>, vector<16x2048xf32>,
    %broadcast_in_dim3A_57 = vector.shape_cast %dot_general3A_18 : vector<16x1xf32> to vector<16x1xf32>
    %broadcast_in_dim3A_58 = vector.broadcast %broadcast_in_dim3A_57 : vector<16x1xf32> to vector<16x2048xf32>
    %swap3A_59 = arith.constant 0 : index
    %swap3A_60 = arith.constant 0 : index
    %swap3A_61 = vector.load %arg8[%swap3A_59, %swap3A_60] : memref<16x2048xf32, #tpu.memory_space<vmem>>, vector<16x2048xf32>
    tpu.vector_store %arg8[%swap3A_59, %swap3A_60], %broadcast_in_dim3A_58 {strides = array<i32>} : memref<16x2048xf32, #tpu.memory_space<vmem>>, vector<16x2048xf32>,
    return
  }
  func.func @transform_0(%arg0: i32) -> (i32, i32) {
    %c0_i32 = arith.constant 0 : i32
    %c0_i32_0 = arith.constant 0 : i32
    return %c0_i32, %arg0 : i32, i32
  }
  func.func @transform_1(%arg0: i32) -> (i32, i32) {
    %c0_i32 = arith.constant 0 : i32
    %c0_i32_0 = arith.constant 0 : i32
    %c0_i32_1 = arith.constant 0 : i32
    return %c0_i32, %c0_i32_0 : i32, i32
  }
  func.func @transform_2(%arg0: i32) -> (i32, i32) {
    %c0_i32 = arith.constant 0 : i32
    %c0_i32_0 = arith.constant 0 : i32
    %c0_i32_1 = arith.constant 0 : i32
    return %c0_i32, %c0_i32_0 : i32, i32
  }
  func.func @transform_3(%arg0: i32) -> (i32, i32) {
    %c0_i32 = arith.constant 0 : i32
    %c0_i32_0 = arith.constant 0 : i32
    %c0_i32_1 = arith.constant 0 : i32
    return %c0_i32, %c0_i32_0 : i32, i32
  }
  func.func @transform_4(%arg0: i32) -> (i32, i32) {
    %c0_i32 = arith.constant 0 : i32
    %c0_i32_0 = arith.constant 0 : i32
    %c0_i32_1 = arith.constant 0 : i32
    return %c0_i32, %c0_i32_0 : i32, i32
  }
  func.func @transform_5(%arg0: i32) -> (i32, i32) {
    %c0_i32 = arith.constant 0 : i32
    %c0_i32_0 = arith.constant 0 : i32
    return %arg0, %c0_i32 : i32, i32
  }
  func.func @transform_6(%arg0: i32) -> (i32, i32) {
    %c0_i32 = arith.constant 0 : i32
    %c0_i32_0 = arith.constant 0 : i32
    return %c0_i32, %arg0 : i32, i32
  }
  func.func @transform_7(%arg0: i32) -> (i32, i32) {
    %c0_i32 = arith.constant 0 : i32
    %c0_i32_0 = arith.constant 0 : i32
    return %c0_i32, %arg0 : i32, i32
  }
}

</mosaic_0001>

<sc_bundles>
// kernel: kernel.4.cloned.1.call-start
scs
__scs_entry_jumppad:
0x0: {  	(pc) =	sbr.rel $0x88, $3  }
0x1: {  	(tag) =	ssettag $0x0;
	lr =	simm.s32 $0x1  }
0x2: {  	[smem:$0x3F9C] =	sst lr;
	_ =	strace $0xD0000000  }
0x3: {  	_ = 	snop  }
0x4: {  	_ = 	snop  }
0x5: {  	_ = 	snop  }
0x6: {  	_ = 	snop  }
0x7: {  	_ = 	snop  }
__scs_overlays_trampoline_lowered:
0x8: {  	[smem:$0x3FAB] =	sst s0  }
0x9: {  	[smem:$0x3FAC] =	sst s1  }
0xa: {  	[smem:$0x3FAD] =	sst s2  }
0xb: {  	[smem:$0x3FAE] =	sst s3  }
0xc: {  	[smem:$0x3FAF] =	sst s4  }
0xd: {  	[smem:$0x3FB0] =	sst s5  }
0xe: {  	[smem:$0x3FB1] =	sst s6  }
0xf: {  	[smem:$0x3FB2] =	sst s7  }
0x10: {  	[smem:$0x3FB3] =	sst s8  }
0x11: {  	[smem:$0x3FB4] =	sst s9;
	s0 =	simm.s32 @!p0 $0x0  }
0x12: {  	s1 =	sld [smem:$0x3F9A];
	s0 =	simm.s32 @p0 $0x1  }
0x13: {  	[smem:$0x3FB5] =	sst s0;
	s0 =	simm.s32 @!p1 $0x0  }
0x14: {  	s2 =	sld [smem:$0x3F99];
	s0 =	simm.s32 @p1 $0x1  }
0x15: {  	[smem:$0x3FB6] =	sst s0;
	s0 =	simm.s32 @!p2 $0x0  }
0x16: {  	s3 =	sld [smem:$0x3FDB];
	s0 =	simm.s32 @p2 $0x1  }
0x17: {  	s4 =	simm.s32 $0x1BF5;
	[smem:$0x3FB8] =	sst s0  }
0x18: {  	s0 =	sld [smem:$0x3F9B];
	_ =	swait.ge [sflag:s4], $0x0  }
0x19: {  	s7 =	sld [smem:$0x3F9C]  }
0x1a: {  	s8 =	sadd.s32 $0xFFFFE003, lr  }
0x1b: {  	s9 =	sadd.s32 $0xFFFFFEF7, lr;
	s5 =	simm.s32 $0xFFFFFFFF;
	p2 =	slt.u32 s8, $0xFFFFF086  }
0x1c: {  	p1 =	slt.u32 s9, $0xF7A;
	s5 =	simm.s32 @!p2 $0x0  }
0x1d: {  	s5 =	simm.s32 @p1 $0x1;
	p0 =	seq.s32 s7, s2  }
0x1e: {  	s7 =	smul.u32 @!p0 $0xF7A, s2;
	p2 =	seq.s32 @!p0 s5, $0x0  }
0x1f: {  	s9 =	smul.u32 $0xF7A, s1;
	s8 =	simm.s32 @!p0 $0x1BF5;
	p2 =	por !p2, p0  }
0x20: {  	[sflag:s8] =	ssyncset.s32 @!p0 $0xFFFFF086;
	s6 =	sadd.s32 @!p0 s3, s7;
	s7 =	simm.s32 @!p0 $0x108  }
0x21: {  	s3 =	sadd.s32 s3, s9;
	s6 =	sadd.s32 @!p0 $0x88, s6;
	s7 =	simm.s32 @p2 $0x1082  }
0x22: {  	[simem:s7], [sflag:s8] =	dma.local @!p0 [hbm:s6], $0xF7A  }
0x23: {  	s9 =	sor.u32 $0xD0000000, s2;
	s6 =	simm.s32 $0x108;
	_ =	swait.ge @!p0 [sflag:s8], $0x0  }
0x24: {  	s3 =	sadd.s32 $0x88, s3;
	s6 =	simm.s32 @!p1 $0x1082;
	[sflag:s4] =	ssyncset.s32 $0xFFFFF086  }
0x25: {  	[simem:s6], [sflag:s4] =	dma.local [hbm:s3], $0xF7A  }
0x26: {  	[smem:$0x3F9C] =	sst s1;
	(tag) =	ssettag s2;
	_ =	strace s9  }
0x27: {  	s1 =	sld [smem:$0x3FAC]  }
0x28: {  	s2 =	sld [smem:$0x3FAD]  }
0x29: {  	s4 =	sld [smem:$0x3FAF]  }
0x2a: {  	p0 =	seq.s32 s5, $0x0;
	s5 =	sld [smem:$0x3FB0]  }
0x2b: {  	s6 =	sld [smem:$0x3FB1]  }
0x2c: {  	s7 =	sld [smem:$0x3FB2]  }
0x2d: {  	s3 =	simm.s32 $0x108;
	s8 =	sld [smem:$0x3FB3]  }
0x2e: {  	s3 =	simm.s32 @!p0 $0x1082;
	s9 =	sld [smem:$0x3FB4]  }
0x2f: {  	lr =	sadd.s32 s0, s3;
	s0 =	sld [smem:$0x3FAB]  }
0x30: {  	s3 =	sld [smem:$0x3FAE]  }
0x31: {  	[smem:$0x3FB7] =	sst s10  }
0x32: {  	s10 =	sld [smem:$0x3FB5];
	_ =	sdelay $0x3  }
0x33: {  	p0 =	seq.s32 s10, $0x1;
	s10 =	sld [smem:$0x3FB7];
	_ =	sdelay $0x3  }
0x34: {  	[smem:$0x3FB7] =	sst s10  }
0x35: {  	s10 =	sld [smem:$0x3FB6];
	_ =	sdelay $0x3  }
0x36: {  	p1 =	seq.s32 s10, $0x1;
	s10 =	sld [smem:$0x3FB7];
	_ =	sdelay $0x3  }
0x37: {  	[smem:$0x3FB7] =	sst s10  }
0x38: {  	s10 =	sld [smem:$0x3FB8]  }
0x39: {  	_ = 	snop;
	(pc) =	sbr.ind lr, $3  }
0x3a: {  	_ = 	snop  }
0x3b: {  	_ = 	snop  }
0x3c: {  	p2 =	seq.s32 s10, $0x1;
	s10 =	sld [smem:$0x3FB7]  }
0x3d: {  	_ =	shalt  }
0x3e: {  	_ =	shalt  }
0x3f: {  	_ =	shalt  }
0x40: {  	_ =	shalt  }
0x41: {  	_ =	shalt  }
0x42: {  	_ =	shalt  }
0x43: {  	_ =	shalt  }
0x44: {  	_ =	shalt  }
0x45: {  	_ =	shalt  }
0x46: {  	_ =	shalt  }
0x47: {  	_ =	shalt  }
0x48: {  	_ =	shalt  }
0x49: {  	_ =	shalt  }
0x4a: {  	_ =	shalt  }
0x4b: {  	_ =	shalt  }
0x4c: {  	_ =	shalt  }
0x4d: {  	_ =	shalt  }
0x4e: {  	_ =	shalt  }
0x4f: {  	_ =	shalt  }
0x50: {  	_ =	shalt  }
0x51: {  	_ =	shalt  }
0x52: {  	_ =	shalt  }
0x53: {  	_ =	shalt  }
0x54: {  	_ =	shalt  }
0x55: {  	_ =	shalt  }
0x56: {  	_ =	shalt  }
0x57: {  	_ =	shalt  }
0x58: {  	_ =	shalt  }
0x59: {  	_ =	shalt  }
0x5a: {  	_ =	shalt  }
0x5b: {  	_ =	shalt  }
0x5c: {  	_ =	shalt  }
0x5d: {  	_ =	shalt  }
0x5e: {  	_ =	shalt  }
0x5f: {  	_ =	shalt  }
0x60: {  	_ =	shalt  }
0x61: {  	_ =	shalt  }
0x62: {  	_ =	shalt  }
0x63: {  	_ =	shalt  }
0x64: {  	_ =	shalt  }
0x65: {  	_ =	shalt  }
0x66: {  	_ =	shalt  }
0x67: {  	_ =	shalt  }
0x68: {  	_ =	shalt  }
0x69: {  	_ =	shalt  }
0x6a: {  	_ =	shalt  }
0x6b: {  	_ =	shalt  }
0x6c: {  	_ =	shalt  }
0x6d: {  	_ =	shalt  }
0x6e: {  	_ =	shalt  }
0x6f: {  	_ =	shalt  }
0x70: {  	_ =	shalt  }
0x71: {  	_ =	shalt  }
0x72: {  	_ =	shalt  }
0x73: {  	_ =	shalt  }
0x74: {  	_ =	shalt  }
0x75: {  	_ =	shalt  }
0x76: {  	_ =	shalt  }
0x77: {  	_ =	shalt  }
0x78: {  	_ =	shalt  }
0x79: {  	_ =	shalt  }
0x7a: {  	_ =	shalt  }
0x7b: {  	_ =	shalt  }
0x7c: {  	_ =	shalt  }
0x7d: {  	_ =	shalt  }
0x7e: {  	_ =	shalt  }
0x7f: {  	_ =	shalt  }
0x80: {  	_ =	shalt  }
0x81: {  	_ =	shalt  }
0x82: {  	_ =	shalt  }
0x83: {  	_ =	shalt  }
0x84: {  	_ =	shalt  }
0x85: {  	_ =	shalt  }
0x86: {  	_ =	shalt  }
0x87: {  	_ =	shalt  }
.Lfunc_end0:
.L_simem_size_0:
called_computation_lowered:
.L_overlay_start_0:
0x88: {  	s2 =	sld [smem:$0x3FD9]  }
0x89: {  	s3 =	sld [smem:$0x3FFE];
	_ =	sdelay $0x1  }
0x8a: {  	s1 =	srdreg.scid  }
0x8b: {  	s0 =	sand.u32 $0x1, s1  }
0x8c: {  	s14 =	sshll.u32 s0, $0xA;
	s2 =	sadd.s32 s3, s2  }
0x8d: {  	s2 =	sadd.s32 s2, s14  }
0x8e: {  	[smem:$0x3FC3] =	sst s2  }
0x8f: {  	_ = 	snop  }
0x90: {  	s2 =	sld [smem:$0x3FD0];
	_ =	sdelay $0x2  }
0x91: {  	s15 =	simm.s32 $0xA;
	s4 =	simm.s32 $0x10  }
0x92: {  	[smem:s4], [sflag:s15] =	dma.local [hbm:s2], $0x1  }
0x93: {  	_ =	swait.eq [sflag:s15], $0x1  }
0x94: {  	[sflag:s15] =	ssyncset.done $0x0  }
0x95: {  	[sflag:s15] =	ssyncadd.s32 $0xFFFFFFFF  }
0x96: {  	s16 =	sld [smem:$0x11];
	(tm) =	ssettm $0x1  }
0x97: {  	s17 =	sld [smem:$0x3FFB];
	_ =	sdelay $0x3  }
0x98: {  	_ =	strace s17  }
0x99: {  	s3 =	sld [smem:$0x3FFC];
	_ =	sdelay $0x3  }
0x9a: {  	_ =	strace s3  }
0x9b: {  	s3 =	sld [smem:$0x3FFD];
	_ =	sdelay $0x3  }
0x9c: {  	_ =	strace s3  }
0x9d: {  	_ =	strace $0x8FFFFFFF  }
0x9e: {  	s18 =	sld [smem:$0x3FDB];
	_ =	sdelay $0x1  }
0x9f: {  	s19 =	simm.s32 $_scs_section_size  }
0xa0: {  	s5 =	simm.s32 $_size__tile_overlayer_lowered;
	s6 =	simm.s32 $_tile_overlayer_lowered  }
0xa1: {  	s22 =	simm.s32 $0x1BFF;
	s21 =	sshll.u32 s6, $0x1;
	s3 =	sadd.s32 s19, s18  }
0xa2: {  	s7 =	simm.s32 $0x0;
	s20 =	sshll.u32 s5, $0x1;
	s5 =	sadd.s32 s21, s3  }
0xa3: {  	[timem:s7], [sflag:s22] =	dma.local [hbm:s5], s20  }
0xa4: {  	_ =	swait.ge [sflag:s22], s20  }
0xa5: {  	s4 =	ssub.s32 $0x0, s20;
	[sflag:s22] =	ssyncset.done $0x0  }
0xa6: {  	[sflag:s22] =	ssyncadd.s32 s4;
	_ =	sdelay $0x1  }
0xa7: {  	s23 =	simm.s32 $0x1B8B  }
0xa8: {  	_ =	swait.ge [sflag:s23], $0x1  }
0xa9: {  	[sflag:s23] =	ssyncset.done $0x0  }
0xaa: {  	s25 =	simm.s32 $0x1B8E;
	s24 =	sld [smem:$0x3FFE];
	[sflag:s23] =	ssyncadd.s32 $0xFFFFFFFF  }
0xab: {  	s26 =	simm.s32 $execute0_lowered;
	[smem:$0x3FD2] =	sst s25  }
0xac: {  	s5 =	sshll.u32 s26, $0x1;
	_ =	strace $0x80000046;
	[dreg:$0x1] =	wrdreg $0xFFFFFFFF  }
0xad: {  	s28 =	simm.s32 $_size_execute0_lowered;
	s3 =	sadd.s32 s3, s5;
	[dreg:$0x0] =	wrdreg $0x0  }
0xae: {  	s5 =	sshll.u32 s28, $0x1;
	[dreg:$0x2] =	wrdreg s3  }
0xaf: {  	[dreg:$0x3] =	wrdreg s5  }
0xb0: {  	[dreg:$0x4] =	wrdreg $0xC0  }
0xb1: {  	_ =	task [dreg:s7], $0x5FFFF  }
0xb2: {  	[dreg:$0x1] =	wrdreg $0xFFFFFFFF  }
0xb3: {  	[dreg:$0x0] =	wrdreg $0x60  }
0xb4: {  	[dreg:$0x2] =	wrdreg s24  }
0xb5: {  	[dreg:$0x3] =	wrdreg s16  }
0xb6: {  	[dreg:$0x4] =	wrdreg $0x0  }
0xb7: {  	[dreg:$0x5] =	wrdreg $0x9  }
0xb8: {  	_ =	task.clear_ibuf [dreg:s7], $0x6FFFF;
	_ =	strace $0x90000046  }
0xb9: {  	s29 =	simm.s32 $0x9;
	_ =	strace $0x80000048  }
0xba: {  	_ =	swait.ge [sflag:s29], $0x1  }
0xbb: {  	[sflag:s29] =	ssyncadd.s32 $0xFFFFFFFF  }
0xbc: {  	_ =	strace $0x90000048  }
0xbd: {  	_ =	sfence  }
0xbe: {  	s30 =	sld [smem:$0x0];
	_ =	sdelay $0x2  }
0xbf: {  	s31 =	sshll.u32 s1, $0xD;
	s1 =	sshrl.u32 s1, $0x2  }
0xc0: {  	s3 =	sand.u32 $0x4000, s31;
	s1 =	sadd.s32 s1, s30  }
0xc1: {  	s0 =	sor.u32 s3, s0;
	s1 =	sshll.u32 s1, $0x11  }
0xc2: {  	s0 =	sor.u32 s1, s0  }
0xc3: {  	s0 =	sadd.s32 $0x8F2B, s0  }
0xc4: {  	[sflag:s0] =	ssyncadd.remote.s32 $0x1  }
0xc5: {  	_ =	sfence.sel $0xFFFF  }
0xc6: {  	[dreg:$0x0] =	wrdreg $0xFFFFFFFF;
	(pc) =	sbr.abs _section_cstart, $3  }
0xc7: {  	[dreg:$0x1] =	wrdreg $0xFFFFFFFF  }
0xc8: {  	_ =	task.clear_ibuf [dreg:s7], $0x2FFFF;
	_ =	strace $0x9FFFFFFF  }
0xc9: {  	(tm) =	ssettm $0x7FFFFFFF  }
tec
execute0_lowered:
.L_overlay_start_1:
0x0: {  	(tag) =	ssettag $0x1  }
0x1: {  	s3 =	srdreg.scid  }
0x2: {  	s2 =	rddreg [dreg:$0x0];
	s3 =	sand.u32 $0x1, s3  }
0x3: {  	s7 =	stileid.u32;
	s8 =	sshll.u32 s3, $0x9;
	s3 =	ssub.s32 $0x2, s3  }
0x4: {  	s1 =	rddreg [dreg:$0x1];
	s6 =	sshll.u32 s7, $0xA;
	s31 =	sshrl.u32 s3, $0x1  }
0x5: {  	s5 =	rddreg [dreg:$0x2];
	s30 =	sor.u32 s8, s6;
	s8 =	ssub.s32 s3, s31  }
0x6: {  	s0 =	rddreg [dreg:$0x3];
	s9 =	smax.u32 s8, $0x1  }
0x7: {  	s4 =	simm.s32 $0x0;
	s10 =	simm.s32 $0x4000;
	s15 =	sadd.s32 $0xFFFFFFFF, s9  }
0x8: {  	s12 =	simm.s32 $0x80;
	p1 =	por $0x0, $0x0;
	p2 =	sne.s32 s15, $0x0  }
.Ltmp0:
0x9: {  	[smem:$0x7FF] =	sst s4;
	p0 =	sne.s32 s7, $0x0;
	(pc) =	sbr.rel @!p2 .LBB2_3-.Ltmp0, $4  }
0xa: {  	s7 =	sshll.u32 s7, $0x6;
	_ =	strace $0x80000047;
	s11 =	sshrl.u32 @!p0 s5, $0x3  }
0xb: {  	s7 =	sor.u32 $0x1C01, s7;
	s6 =	sadd.s32 $0x1000, s2;
	s1 =	sadd.s32 s1, s30  }
0xc: {  	s2 =	sadd.s32 $0x80, s1;
	s3 =	sadd.s32 $0x100, s1;
	s4 =	sadd.s32 $0x180, s1  }
0xd: {  	s8 =	sshrl.u32 s5, $0x3;
	s5 =	simm.s32 $0x1;
	s9 =	simm.s32 $0x8  }
0xe: {  	s13 =	simm.s32 @!p0 $0x1C02;
	s14 =	simm.s32 @!p0 $0x2  }
0xf: {  	[spmem:s11], [sflag:s13] =	dma.local @!p0 [hbm:s6], $0x2100  }
0x10: {  	_ =	swait.ge @!p0 [sflag:s14], $0x2100  }
0x11: {  	[sflag:s14] =	ssyncset.done @!p0 $0x0  }
0x12: {  	[sflag:s14] =	ssyncadd.s32 @!p0 $0xFFFFDF00  }
0x13: {  	[bflag:$0x0] =	sbarrier.arrive $0xFFFF  }
0x14: {  	[hbm:s1@s10], [sflag:s7] =	dma.strided [spmem:s8@s12], $0x2100, s9, $0x10   }
0x15: {  	[hbm:s2@s10], [sflag:s7] =	dma.strided [spmem:s8@s12], $0x2100, s9, $0x10   }
0x16: {  	[hbm:s3@s10], [sflag:s7] =	dma.strided [spmem:s8@s12], $0x2100, s9, $0x10   }
0x17: {  	[hbm:s4@s10], [sflag:s7] =	dma.strided [spmem:s8@s12], $0x2100, s9, $0x10   }
0x18: {  	_ =	swait.ge [sflag:s5], $0x2100  }
0x19: {  	[sflag:s5] =	ssyncset.done $0x0  }
0x1a: {  	[sflag:s5] =	ssyncadd.s32 $0xFFFFDF00  }
0x1b: {  	_ =	swait.ge [sflag:s5], $0x2100  }
0x1c: {  	s15 =	sadd.s32 $0xFFFFFFFF, s15;
	[sflag:s5] =	ssyncset.done $0x0  }
0x1d: {  	p2 =	sne.s32 s15, $0x0;
	[sflag:s5] =	ssyncadd.s32 $0xFFFFDF00  }
.Ltmp1:
0x1e: {  	_ =	swait.ge [sflag:s5], $0x2100;
	(pc) =	sbr.rel @!p2 .LBB2_3-.Ltmp1, $4  }
0x1f: {  	[sflag:s5] =	ssyncset.done $0x0  }
0x20: {  	[sflag:s5] =	ssyncadd.s32 $0xFFFFDF00  }
0x21: {  	_ =	swait.ge [sflag:s5], $0x2100  }
0x22: {  	p1 =	por $0x1, $0x1;
	[sflag:s5] =	ssyncset.done $0x0  }
.LBB2_2:
0x23: {  	[sflag:s5] =	ssyncadd.s32 $0xFFFFDF00  }
0x24: {  	[spmem:s11], [sflag:s13] =	dma.local @!p0 [hbm:s6], $0x2100  }
0x25: {  	s15 =	sadd.s32 $0xFFFFFFFF, s15;
	_ =	swait.ge @!p0 [sflag:s14], $0x2100  }
0x26: {  	p2 =	sne.s32 s15, $0x0;
	[sflag:s14] =	ssyncset.done @!p0 $0x0  }
0x27: {  	[sflag:s14] =	ssyncadd.s32 @!p0 $0xFFFFDF00  }
0x28: {  	[bflag:$0x0] =	sbarrier.arrive $0xFFFF  }
0x29: {  	[hbm:s1@s10], [sflag:s7] =	dma.strided [spmem:s8@s12], $0x2100, s9, $0x10   }
0x2a: {  	[hbm:s2@s10], [sflag:s7] =	dma.strided [spmem:s8@s12], $0x2100, s9, $0x10   }
0x2b: {  	[hbm:s3@s10], [sflag:s7] =	dma.strided [spmem:s8@s12], $0x2100, s9, $0x10   }
0x2c: {  	[hbm:s4@s10], [sflag:s7] =	dma.strided [spmem:s8@s12], $0x2100, s9, $0x10   }
0x2d: {  	_ =	swait.ge [sflag:s5], $0x2100  }
0x2e: {  	[sflag:s5] =	ssyncset.done $0x0  }
0x2f: {  	[sflag:s5] =	ssyncadd.s32 $0xFFFFDF00  }
0x30: {  	_ =	swait.ge [sflag:s5], $0x2100  }
0x31: {  	[sflag:s5] =	ssyncset.done $0x0  }
0x32: {  	[sflag:s5] =	ssyncadd.s32 $0xFFFFDF00  }
.Ltmp2:
0x33: {  	_ =	swait.ge [sflag:s5], $0x2100;
	(pc) =	sbr.rel @p2 .LBB2_2-.Ltmp2, $4  }
0x34: {  	[sflag:s5] =	ssyncset.done $0x0  }
0x35: {  	[sflag:s5] =	ssyncadd.s32 $0xFFFFDF00  }
0x36: {  	_ =	swait.ge [sflag:s5], $0x2100  }
0x37: {  	[sflag:s5] =	ssyncset.done $0x0  }
.LBB2_3:
0x38: {  	s13 =	simm.s32 @!p0 $0x1C02;
	s14 =	simm.s32 @!p0 $0x2;
	[sflag:s5] =	ssyncadd.s32 @p1 $0xFFFFDF00  }
0x39: {  	[spmem:s11], [sflag:s13] =	dma.local @!p0 [hbm:s6], $0x2100  }
0x3a: {  	_ =	swait.ge @!p0 [sflag:s14], $0x2100  }
0x3b: {  	[sflag:s14] =	ssyncset.done @!p0 $0x0  }
0x3c: {  	[sflag:s14] =	ssyncadd.s32 @!p0 $0xFFFFDF00  }
0x3d: {  	[bflag:$0x0] =	sbarrier.arrive $0xFFFF  }
0x3e: {  	[hbm:s1@s10], [sflag:s7] =	dma.strided [spmem:s8@s12], $0x2100, s9, $0x10   }
0x3f: {  	[hbm:s2@s10], [sflag:s7] =	dma.strided [spmem:s8@s12], $0x2100, s9, $0x10   }
0x40: {  	[hbm:s3@s10], [sflag:s7] =	dma.strided [spmem:s8@s12], $0x2100, s9, $0x10   }
0x41: {  	[hbm:s4@s10], [sflag:s7] =	dma.strided [spmem:s8@s12], $0x2100, s9, $0x10   }
0x42: {  	_ =	swait.ge [sflag:s5], $0x2100  }
0x43: {  	[sflag:s5] =	ssyncset.done $0x0  }
0x44: {  	[sflag:s5] =	ssyncadd.s32 $0xFFFFDF00  }
0x45: {  	_ =	swait.ge [sflag:s5], $0x2100  }
0x46: {  	[sflag:s5] =	ssyncset.done $0x0  }
0x47: {  	[sflag:s5] =	ssyncadd.s32 $0xFFFFDF00  }
0x48: {  	_ =	swait.ge [sflag:s5], $0x2100  }
0x49: {  	[sflag:s5] =	ssyncset.done $0x0  }
0x4a: {  	[sflag:s5] =	ssyncadd.s32 $0xFFFFDF00  }
0x4b: {  	_ =	swait.ge [sflag:s5], $0x2100  }
0x4c: {  	[sflag:s5] =	ssyncset.done $0x0  }
0x4d: {  	[sflag:s5] =	ssyncadd.s32 $0xFFFFDF00  }
0x4e: {  	_ =	sfence.sel $0x180000  }
0x4f: {  	[bflag:$0x0] =	sbarrier.arrive $0xFFFF  }
0x50: {  	_ =	strace $0x90000047  }
0x51: {  	s0 =	sadd.s32 @!p0 $0x100000, s0;
	[bflag:$0x2] =	sbarrier.arrive $0xFFFF  }
0x52: {  	[sflag:s0] =	ssyncadd.tile.s32 @!p0 $0x1;
	_ =	shalt  }
.Lfunc_end2:
_tile_overlayer_lowered:
.L_overlay_start_2:
0x53: {  	(tag) =	ssettag $0x2  }
0x54: {  	s0 =	rddreg [dreg:$0x0];
	s2 =	stileid.u32  }
0x55: {  	s1 =	rddreg [dreg:$0x1];
	p0 =	sne.s32 s2, $0x0  }
0x56: {  	s3 =	rddreg [dreg:$0x2];
	[bflag:$0x3] =	sbarrier.arrive $0xFFFF;
	s2 =	simm.s32 @!p0 $0x1C02  }
0x57: {  	[timem:s3], [sflag:s2] =	dma.local @!p0 [hbm:s0], s1  }
0x58: {  	s0 =	simm.s32 @!p0 $0x2  }
0x59: {  	_ =	swait.ge @!p0 [sflag:s0], s1  }
0x5a: {  	s1 =	ssub.s32 @!p0 $0x0, s1;
	[sflag:s0] =	ssyncset.done @!p0 $0x0  }
0x5b: {  	[sflag:s0] =	ssyncadd.s32 @!p0 s1  }
0x5c: {  	[bflag:$0x3] =	sbarrier.arrive $0xFFFF  }
0x5d: {  	_ =	shalt  }

</sc_bundles>
